<compile_context>
chip_gen: v7x
topology: tpu7x:2x2x1
jax: 0.10.2.dev20260603
libtpu: 0.0.44.dev20260713+nightly
codegen_flags: <defaults>
</compile_context>

<pallas_src>
import functools

import jax
import jax.numpy as jnp
from jax import lax
from jax.experimental import pallas as pl
from jax.experimental.pallas import tpu as pltpu
from jax.experimental.pallas import tpu_sc as plsc

K = 16
NCHUNK = 4


def _tc_probe_kernel(*refs):
    x_refs = refs[:8]
    out_ref, sm_ref = refs[8], refs[9]
    s = jnp.float32(0)
    for r in x_refs:
        d = r[0]
        s = s + jnp.sum(d * d)
    sm_ref[0, 0, 0] = s
    out_ref[0] = x_refs[0][0]


def _tc_probe(xr, B, S):
    def xspec(r):
        return pl.BlockSpec((1, S, 128), lambda i, r=r: (r * 8 + i, 0, 0))

    return pl.pallas_call(
        _tc_probe_kernel,
        grid=(8,),
        in_specs=[xspec(r) for r in range(8)],
        out_specs=[
            pl.BlockSpec((1, S, 128), lambda i: (i, 0, 0)),
            pl.BlockSpec((1, 1, 1), lambda i: (i, 0, 0),
                         memory_space=pltpu.SMEM),
        ],
        out_shape=[
            jax.ShapeDtypeStruct((B, S, 128), jnp.float32),
            jax.ShapeDtypeStruct((B, 1, 1), jnp.float32),
        ],
    )(*([xr] * 8))


def _sc_probe(B, N):
    CH = N // NCHUNK
    mesh = plsc.VectorSubcoreMesh(core_axis_name="c", subcore_axis_name="s")

    @functools.partial(
        pl.kernel, mesh=mesh,
        out_type=jax.ShapeDtypeStruct((B * 16,), jnp.float32),
        scratch_types=[
            pltpu.VMEM((CH,), jnp.float32),
            pltpu.VMEM((CH,), jnp.float32),
            pltpu.SemaphoreType.DMA,
            pltpu.SemaphoreType.DMA,
        ],
    )
    def k(x_hbm, loss_hbm, buf0, buf1, sem0, sem1):
        c = lax.axis_index("c")
        s = lax.axis_index("s")
        wid = s * 2 + c
        base = 64 + wid * 2
        bufs = (buf0, buf1)
        sems = (sem0, sem1)
        cps = []
        for i in range(2):
            r = base + i // NCHUNK
            off = r * N + (i % NCHUNK) * CH
            cp = pltpu.async_copy(x_hbm.at[pl.ds(off, CH)],
                                  bufs[i % 2], sems[i % 2])
            cps.append(cp)
            if i >= 1:
                cps[i - 1].wait()
        cps[-1].wait()

        @pl.when(wid < B)
        def _():
            pltpu.sync_copy(buf0.at[pl.ds(0, 16)],
                            loss_hbm.at[pl.ds(wid * 16, 16)])

    return k


def kernel(x, target):
    B, C, H, W = x.shape
    D = C // K
    N = D * H * W
    S = N // 128

    xr = x.reshape(B * K, S, 128)
    xflat = x.reshape(B * K * N)

    selected = jnp.zeros((B, S, 128), jnp.float32)
    loss = _sc_probe(B, N)(xflat)
    return selected.reshape(B, D, H, W), loss.reshape(B, 16)[:, 0]

# --- scband reference (transcript-rebuilt; emitter-appended) ---
"""Pipeline reference for scband-sddn-select-21801253994529 (READ-ONLY COPY).

The authoritative reference and input builder live on the scoring server;
editing this copy changes nothing except your own understanding.
"""

import jax, jax.numpy as jnp
import numpy as np
import math, functools, operator

K = 16

def setup_inputs(seed: int = 0) -> dict:
    key = jax.random.key(seed)
    k1, k2 = jax.random.split(key)
    x = jax.random.normal(k1, (8, 48, 224, 224), dtype=jnp.float32)
    target = jax.random.normal(k2, (8, 3, 224, 224), dtype=jnp.float32)
    return {"x": x, "target": target}

def reference(x, target):
    sizes = x.shape
    B = sizes[0]
    D = sizes[1] // K
    xr = x.reshape((B, K, D) + tuple(sizes[2:]))
    t = target[:, None]  # (B, 1, D, ...)
    # MSE loss_function with mean reduction over all dims except (batch, k) -> (B, K)
    reduce_axes = tuple(range(2, xr.ndim))
    loss = jnp.mean((xr - t) ** 2, axis=reduce_axes)
    elements_per = functools.reduce(operator.mul, sizes[2:], 1)
    loss = loss + math.log(K, 2) / elements_per
    min_loss = jnp.min(loss, axis=1)
    min_loss_index = jnp.argmin(loss, axis=1)
    min_loss_mask = jax.nn.one_hot(min_loss_index, K, dtype=xr.dtype)
    mask_shape = (B, K) + tuple(1 for _ in range(2, xr.ndim))
    min_loss_mask = min_loss_mask.reshape(mask_shape)
    selected = jnp.sum(xr * min_loss_mask, axis=1)
    return (selected, min_loss)

if __name__ == "__main__":
    import jax
    _d = setup_inputs()
    print(jax.jit(kernel)(*tuple(_d.values())))

</pallas_src>

<mosaic_0001>
#map = affine_map<(d0, d1) -> (0)>
module attributes {stable_mosaic.version = 14 : i64} {
  func.func @k(%arg0: i32, %arg1: i32, %arg2: memref<19267584xf32, #tpu.memory_space<hbm>>, %arg3: memref<128xf32, #tpu.memory_space<hbm>>, %arg4: memref<37632xf32, #tpu.memory_space<vmem>>, %arg5: memref<37632xf32, #tpu.memory_space<vmem>>, %arg6: memref<!tpu.dma_semaphore, #tpu.memory_space<semaphore_mem>>, %arg7: memref<!tpu.dma_semaphore, #tpu.memory_space<semaphore_mem>>) attributes {dimension_semantics = [#tpu.dimension_semantics<core_parallel>, #tpu.dimension_semantics<subcore_parallel>], iteration_bounds = array<i64: 2, 16>, scalar_prefetch = 0 : i64, scratch_operands = 4 : i64, tpu.core_type = #tpu.core_type<sc_vector_subcore>, window_params = [{transform_indices = #map}, {transform_indices = #map}]} {
    %mul3A = arith.constant 2 : i32
    %mul3A_0 = arith.muli %arg1, %mul3A : i32
    %add3A = arith.addi %mul3A_0, %arg0 : i32
    %mul3A_1 = arith.constant 2 : i32
    %mul3A_2 = arith.muli %add3A, %mul3A_1 : i32
    %add3A_3 = arith.constant 64 : i32
    %add3A_4 = arith.addi %add3A_3, %mul3A_2 : i32
    %add3A_5 = arith.constant 0 : i32
    %add3A_6 = arith.addi %add3A_4, %add3A_5 : i32
    %mul3A_7 = arith.constant 150528 : i32
    %mul3A_8 = arith.muli %add3A_6, %mul3A_7 : i32
    %add3A_9 = arith.constant 0 : i32
    %add3A_10 = arith.addi %mul3A_8, %add3A_9 : i32
    %dma_start3A = tpu.memref_slice %arg2[%add3A_10] : memref<19267584xf32, #tpu.memory_space<hbm>> -> memref<37632xf32, #tpu.memory_space<hbm>>
    %dma_start3A_11 = tpu.memref_slice %arg2[%add3A_10] : memref<19267584xf32, #tpu.memory_space<hbm>> -> memref<37632xf32, #tpu.memory_space<hbm>>
    tpu.enqueue_dma source(%dma_start3A_11 : memref<37632xf32, #tpu.memory_space<hbm>>) target(%arg4 : memref<37632xf32, #tpu.memory_space<vmem>>) target_semaphore(%arg6 : memref<!tpu.dma_semaphore, #tpu.memory_space<semaphore_mem>>)
    %add3A_12 = arith.constant 0 : i32
    %add3A_13 = arith.addi %add3A_4, %add3A_12 : i32
    %mul3A_14 = arith.constant 150528 : i32
    %mul3A_15 = arith.muli %add3A_13, %mul3A_14 : i32
    %add3A_16 = arith.constant 37632 : i32
    %add3A_17 = arith.addi %mul3A_15, %add3A_16 : i32
    %dma_start3A_18 = tpu.memref_slice %arg2[%add3A_17] : memref<19267584xf32, #tpu.memory_space<hbm>> -> memref<37632xf32, #tpu.memory_space<hbm>>
    %dma_start3A_19 = tpu.memref_slice %arg2[%add3A_17] : memref<19267584xf32, #tpu.memory_space<hbm>> -> memref<37632xf32, #tpu.memory_space<hbm>>
    tpu.enqueue_dma source(%dma_start3A_19 : memref<37632xf32, #tpu.memory_space<hbm>>) target(%arg5 : memref<37632xf32, #tpu.memory_space<vmem>>) target_semaphore(%arg7 : memref<!tpu.dma_semaphore, #tpu.memory_space<semaphore_mem>>)
    %dma_wait3A = tpu.memref_slice %arg2[%add3A_10] : memref<19267584xf32, #tpu.memory_space<hbm>> -> memref<37632xf32, #tpu.memory_space<hbm>>
    %dma_wait3A_20 = tpu.memref_slice %arg2[%add3A_10] : memref<19267584xf32, #tpu.memory_space<hbm>> -> memref<37632xf32, #tpu.memory_space<hbm>>
    tpu.wait_dma2 semaphore(%arg6 : memref<!tpu.dma_semaphore, #tpu.memory_space<semaphore_mem>>) src(%dma_wait3A_20 : memref<37632xf32, #tpu.memory_space<hbm>>) dst(%arg4 : memref<37632xf32, #tpu.memory_space<vmem>>)
    %dma_wait3A_21 = tpu.memref_slice %arg2[%add3A_17] : memref<19267584xf32, #tpu.memory_space<hbm>> -> memref<37632xf32, #tpu.memory_space<hbm>>
    %dma_wait3A_22 = tpu.memref_slice %arg2[%add3A_17] : memref<19267584xf32, #tpu.memory_space<hbm>> -> memref<37632xf32, #tpu.memory_space<hbm>>
    tpu.wait_dma2 semaphore(%arg7 : memref<!tpu.dma_semaphore, #tpu.memory_space<semaphore_mem>>) src(%dma_wait3A_22 : memref<37632xf32, #tpu.memory_space<hbm>>) dst(%arg5 : memref<37632xf32, #tpu.memory_space<vmem>>)
    %lt3A = arith.constant 8 : i32
    %lt3A_23 = arith.cmpi slt, %add3A, %lt3A : i32
    %convert_element_type3A = arith.extui %lt3A_23 : i1 to i32
    %cond3A = arith.constant 0 : i32
    %cond3A_24 = arith.cmpi ne, %convert_element_type3A, %cond3A : i32
    scf.if %cond3A_24 {
      %mul3A_25 = arith.constant 16 : i32
      %mul3A_26 = arith.muli %add3A, %mul3A_25 : i32
      "tpu.region"() ({
        %run_scoped3A = tpu.sem_alloc : memref<!tpu.dma_semaphore, #tpu.memory_space<semaphore_mem>>
        %dma_start3A_27 = arith.constant 0 : i32
        %dma_start3A_28 = tpu.memref_slice %arg4[%dma_start3A_27] : memref<37632xf32, #tpu.memory_space<vmem>> -> memref<16xf32, #tpu.memory_space<vmem>>
        %dma_start3A_29 = tpu.memref_slice %arg3[%mul3A_26] : memref<128xf32, #tpu.memory_space<hbm>> -> memref<16xf32, #tpu.memory_space<hbm>>
        %dma_start3A_30 = tpu.memref_slice %arg3[%mul3A_26] : memref<128xf32, #tpu.memory_space<hbm>> -> memref<16xf32, #tpu.memory_space<hbm>>
        %dma_start3A_31 = arith.constant 0 : i32
        %dma_start3A_32 = tpu.memref_slice %arg4[%dma_start3A_31] : memref<37632xf32, #tpu.memory_space<vmem>> -> memref<16xf32, #tpu.memory_space<vmem>>
        tpu.enqueue_dma source(%dma_start3A_32 : memref<16xf32, #tpu.memory_space<vmem>>) target(%dma_start3A_30 : memref<16xf32, #tpu.memory_space<hbm>>) target_semaphore(%run_scoped3A : memref<!tpu.dma_semaphore, #tpu.memory_space<semaphore_mem>>)
        %dma_wait3A_33 = arith.constant 0 : i32
        %dma_wait3A_34 = tpu.memref_slice %arg4[%dma_wait3A_33] : memref<37632xf32, #tpu.memory_space<vmem>> -> memref<16xf32, #tpu.memory_space<vmem>>
        %dma_wait3A_35 = tpu.memref_slice %arg3[%mul3A_26] : memref<128xf32, #tpu.memory_space<hbm>> -> memref<16xf32, #tpu.memory_space<hbm>>
        %dma_wait3A_36 = tpu.memref_slice %arg3[%mul3A_26] : memref<128xf32, #tpu.memory_space<hbm>> -> memref<16xf32, #tpu.memory_space<hbm>>
        %dma_wait3A_37 = arith.constant 0 : i32
        %dma_wait3A_38 = tpu.memref_slice %arg4[%dma_wait3A_37] : memref<37632xf32, #tpu.memory_space<vmem>> -> memref<16xf32, #tpu.memory_space<vmem>>
        tpu.wait_dma2 semaphore(%run_scoped3A : memref<!tpu.dma_semaphore, #tpu.memory_space<semaphore_mem>>) src(%dma_wait3A_38 : memref<16xf32, #tpu.memory_space<vmem>>) dst(%dma_wait3A_36 : memref<16xf32, #tpu.memory_space<hbm>>)
        tpu.yield
      }) : () -> ()
    } else {
    }
    return
  }
}

</mosaic_0001>

<sc_bundles>
// kernel: kernel.3.cloned.1.call-start
scs
__scs_entry_jumppad:
0x0: {  	(pc) =	sbr.rel $0x88, $3  }
0x1: {  	(tag) =	ssettag $0x0;
	lr =	simm.s32 $0x1  }
0x2: {  	[smem:$0x3FA0] =	sst lr;
	_ =	strace $0xD0000000  }
0x3: {  	_ = 	snop  }
0x4: {  	_ = 	snop  }
0x5: {  	_ = 	snop  }
0x6: {  	_ = 	snop  }
0x7: {  	_ = 	snop  }
__scs_overlays_trampoline_lowered:
0x8: {  	[smem:$0x3FAF] =	sst s0  }
0x9: {  	[smem:$0x3FB0] =	sst s1  }
0xa: {  	[smem:$0x3FB1] =	sst s2  }
0xb: {  	[smem:$0x3FB2] =	sst s3  }
0xc: {  	[smem:$0x3FB3] =	sst s4  }
0xd: {  	[smem:$0x3FB4] =	sst s5  }
0xe: {  	[smem:$0x3FB5] =	sst s6  }
0xf: {  	[smem:$0x3FB6] =	sst s7  }
0x10: {  	[smem:$0x3FB7] =	sst s8  }
0x11: {  	[smem:$0x3FB8] =	sst s9;
	s0 =	simm.s32 @!p0 $0x0  }
0x12: {  	s1 =	sld [smem:$0x3F9E];
	s0 =	simm.s32 @p0 $0x1  }
0x13: {  	[smem:$0x3FB9] =	sst s0;
	s0 =	simm.s32 @!p1 $0x0  }
0x14: {  	s2 =	sld [smem:$0x3F9D];
	s0 =	simm.s32 @p1 $0x1  }
0x15: {  	[smem:$0x3FBA] =	sst s0;
	s0 =	simm.s32 @!p2 $0x0  }
0x16: {  	s3 =	sld [smem:$0x3FDB];
	s0 =	simm.s32 @p2 $0x1  }
0x17: {  	s4 =	simm.s32 $0x1BF5;
	[smem:$0x3FBC] =	sst s0  }
0x18: {  	s0 =	sld [smem:$0x3F9F];
	_ =	swait.ge [sflag:s4], $0x0  }
0x19: {  	s7 =	sld [smem:$0x3FA0]  }
0x1a: {  	s8 =	sadd.s32 $0xFFFFE003, lr  }
0x1b: {  	s9 =	sadd.s32 $0xFFFFFEF7, lr;
	s5 =	simm.s32 $0xFFFFFFFF;
	p2 =	slt.u32 s8, $0xFFFFF086  }
0x1c: {  	p1 =	slt.u32 s9, $0xF7A;
	s5 =	simm.s32 @!p2 $0x0  }
0x1d: {  	s5 =	simm.s32 @p1 $0x1;
	p0 =	seq.s32 s7, s2  }
0x1e: {  	s7 =	smul.u32 @!p0 $0xF7A, s2;
	p2 =	seq.s32 @!p0 s5, $0x0  }
0x1f: {  	s9 =	smul.u32 $0xF7A, s1;
	s8 =	simm.s32 @!p0 $0x1BF5;
	p2 =	por !p2, p0  }
0x20: {  	[sflag:s8] =	ssyncset.s32 @!p0 $0xFFFFF086;
	s6 =	sadd.s32 @!p0 s3, s7;
	s7 =	simm.s32 @!p0 $0x108  }
0x21: {  	s3 =	sadd.s32 s3, s9;
	s6 =	sadd.s32 @!p0 $0x88, s6;
	s7 =	simm.s32 @p2 $0x1082  }
0x22: {  	[simem:s7], [sflag:s8] =	dma.local @!p0 [hbm:s6], $0xF7A  }
0x23: {  	s9 =	sor.u32 $0xD0000000, s2;
	s6 =	simm.s32 $0x108;
	_ =	swait.ge @!p0 [sflag:s8], $0x0  }
0x24: {  	s3 =	sadd.s32 $0x88, s3;
	s6 =	simm.s32 @!p1 $0x1082;
	[sflag:s4] =	ssyncset.s32 $0xFFFFF086  }
0x25: {  	[simem:s6], [sflag:s4] =	dma.local [hbm:s3], $0xF7A  }
0x26: {  	[smem:$0x3FA0] =	sst s1;
	(tag) =	ssettag s2;
	_ =	strace s9  }
0x27: {  	s1 =	sld [smem:$0x3FB0]  }
0x28: {  	s2 =	sld [smem:$0x3FB1]  }
0x29: {  	s4 =	sld [smem:$0x3FB3]  }
0x2a: {  	p0 =	seq.s32 s5, $0x0;
	s5 =	sld [smem:$0x3FB4]  }
0x2b: {  	s6 =	sld [smem:$0x3FB5]  }
0x2c: {  	s7 =	sld [smem:$0x3FB6]  }
0x2d: {  	s3 =	simm.s32 $0x108;
	s8 =	sld [smem:$0x3FB7]  }
0x2e: {  	s3 =	simm.s32 @!p0 $0x1082;
	s9 =	sld [smem:$0x3FB8]  }
0x2f: {  	lr =	sadd.s32 s0, s3;
	s0 =	sld [smem:$0x3FAF]  }
0x30: {  	s3 =	sld [smem:$0x3FB2]  }
0x31: {  	[smem:$0x3FBB] =	sst s10  }
0x32: {  	s10 =	sld [smem:$0x3FB9];
	_ =	sdelay $0x3  }
0x33: {  	p0 =	seq.s32 s10, $0x1;
	s10 =	sld [smem:$0x3FBB];
	_ =	sdelay $0x3  }
0x34: {  	[smem:$0x3FBB] =	sst s10  }
0x35: {  	s10 =	sld [smem:$0x3FBA];
	_ =	sdelay $0x3  }
0x36: {  	p1 =	seq.s32 s10, $0x1;
	s10 =	sld [smem:$0x3FBB];
	_ =	sdelay $0x3  }
0x37: {  	[smem:$0x3FBB] =	sst s10  }
0x38: {  	s10 =	sld [smem:$0x3FBC]  }
0x39: {  	_ = 	snop;
	(pc) =	sbr.ind lr, $3  }
0x3a: {  	_ = 	snop  }
0x3b: {  	_ = 	snop  }
0x3c: {  	p2 =	seq.s32 s10, $0x1;
	s10 =	sld [smem:$0x3FBB]  }
0x3d: {  	_ =	shalt  }
0x3e: {  	_ =	shalt  }
0x3f: {  	_ =	shalt  }
0x40: {  	_ =	shalt  }
0x41: {  	_ =	shalt  }
0x42: {  	_ =	shalt  }
0x43: {  	_ =	shalt  }
0x44: {  	_ =	shalt  }
0x45: {  	_ =	shalt  }
0x46: {  	_ =	shalt  }
0x47: {  	_ =	shalt  }
0x48: {  	_ =	shalt  }
0x49: {  	_ =	shalt  }
0x4a: {  	_ =	shalt  }
0x4b: {  	_ =	shalt  }
0x4c: {  	_ =	shalt  }
0x4d: {  	_ =	shalt  }
0x4e: {  	_ =	shalt  }
0x4f: {  	_ =	shalt  }
0x50: {  	_ =	shalt  }
0x51: {  	_ =	shalt  }
0x52: {  	_ =	shalt  }
0x53: {  	_ =	shalt  }
0x54: {  	_ =	shalt  }
0x55: {  	_ =	shalt  }
0x56: {  	_ =	shalt  }
0x57: {  	_ =	shalt  }
0x58: {  	_ =	shalt  }
0x59: {  	_ =	shalt  }
0x5a: {  	_ =	shalt  }
0x5b: {  	_ =	shalt  }
0x5c: {  	_ =	shalt  }
0x5d: {  	_ =	shalt  }
0x5e: {  	_ =	shalt  }
0x5f: {  	_ =	shalt  }
0x60: {  	_ =	shalt  }
0x61: {  	_ =	shalt  }
0x62: {  	_ =	shalt  }
0x63: {  	_ =	shalt  }
0x64: {  	_ =	shalt  }
0x65: {  	_ =	shalt  }
0x66: {  	_ =	shalt  }
0x67: {  	_ =	shalt  }
0x68: {  	_ =	shalt  }
0x69: {  	_ =	shalt  }
0x6a: {  	_ =	shalt  }
0x6b: {  	_ =	shalt  }
0x6c: {  	_ =	shalt  }
0x6d: {  	_ =	shalt  }
0x6e: {  	_ =	shalt  }
0x6f: {  	_ =	shalt  }
0x70: {  	_ =	shalt  }
0x71: {  	_ =	shalt  }
0x72: {  	_ =	shalt  }
0x73: {  	_ =	shalt  }
0x74: {  	_ =	shalt  }
0x75: {  	_ =	shalt  }
0x76: {  	_ =	shalt  }
0x77: {  	_ =	shalt  }
0x78: {  	_ =	shalt  }
0x79: {  	_ =	shalt  }
0x7a: {  	_ =	shalt  }
0x7b: {  	_ =	shalt  }
0x7c: {  	_ =	shalt  }
0x7d: {  	_ =	shalt  }
0x7e: {  	_ =	shalt  }
0x7f: {  	_ =	shalt  }
0x80: {  	_ =	shalt  }
0x81: {  	_ =	shalt  }
0x82: {  	_ =	shalt  }
0x83: {  	_ =	shalt  }
0x84: {  	_ =	shalt  }
0x85: {  	_ =	shalt  }
0x86: {  	_ =	shalt  }
0x87: {  	_ =	shalt  }
.Lfunc_end0:
.L_simem_size_0:
called_computation_lowered:
.L_overlay_start_0:
0x88: {  	s2 =	sld [smem:$0x3FD9]  }
0x89: {  	s3 =	sld [smem:$0x3FFE];
	_ =	sdelay $0x1  }
0x8a: {  	s1 =	srdreg.scid  }
0x8b: {  	s0 =	sand.u32 $0x1, s1  }
0x8c: {  	s14 =	sshll.u32 s0, $0xA;
	s2 =	sadd.s32 s3, s2  }
0x8d: {  	s2 =	sadd.s32 s2, s14  }
0x8e: {  	[smem:$0x3FC7] =	sst s2  }
0x8f: {  	_ = 	snop  }
0x90: {  	s2 =	sld [smem:$0x3FD0];
	_ =	sdelay $0x2  }
0x91: {  	s15 =	simm.s32 $0xA;
	s4 =	simm.s32 $0x10  }
0x92: {  	[smem:s4], [sflag:s15] =	dma.local [hbm:s2], $0x1  }
0x93: {  	_ =	swait.eq [sflag:s15], $0x1  }
0x94: {  	[sflag:s15] =	ssyncset.done $0x0  }
0x95: {  	[sflag:s15] =	ssyncadd.s32 $0xFFFFFFFF  }
0x96: {  	s16 =	sld [smem:$0x11];
	(tm) =	ssettm $0x1  }
0x97: {  	s17 =	sld [smem:$0x3FFB];
	_ =	sdelay $0x3  }
0x98: {  	_ =	strace s17  }
0x99: {  	s3 =	sld [smem:$0x3FFC];
	_ =	sdelay $0x3  }
0x9a: {  	_ =	strace s3  }
0x9b: {  	s3 =	sld [smem:$0x3FFD];
	_ =	sdelay $0x3  }
0x9c: {  	_ =	strace s3  }
0x9d: {  	_ =	strace $0x8FFFFFFF  }
0x9e: {  	s18 =	sld [smem:$0x3FDB];
	_ =	sdelay $0x1  }
0x9f: {  	s19 =	simm.s32 $_scs_section_size  }
0xa0: {  	s5 =	simm.s32 $_size__tile_overlayer_lowered;
	s6 =	simm.s32 $_tile_overlayer_lowered  }
0xa1: {  	s22 =	simm.s32 $0x1BFF;
	s21 =	sshll.u32 s6, $0x1;
	s3 =	sadd.s32 s19, s18  }
0xa2: {  	s7 =	simm.s32 $0x0;
	s20 =	sshll.u32 s5, $0x1;
	s5 =	sadd.s32 s21, s3  }
0xa3: {  	[timem:s7], [sflag:s22] =	dma.local [hbm:s5], s20  }
0xa4: {  	_ =	swait.ge [sflag:s22], s20  }
0xa5: {  	s4 =	ssub.s32 $0x0, s20;
	[sflag:s22] =	ssyncset.done $0x0  }
0xa6: {  	[sflag:s22] =	ssyncadd.s32 s4;
	_ =	sdelay $0x1  }
0xa7: {  	s23 =	simm.s32 $0x1B8B  }
0xa8: {  	_ =	swait.ge [sflag:s23], $0x1  }
0xa9: {  	[sflag:s23] =	ssyncset.done $0x0  }
0xaa: {  	s25 =	simm.s32 $0x1B8E;
	s24 =	sld [smem:$0x3FFE];
	[sflag:s23] =	ssyncadd.s32 $0xFFFFFFFF  }
0xab: {  	s26 =	simm.s32 $execute0_lowered;
	[smem:$0x3FD2] =	sst s25  }
0xac: {  	s5 =	sshll.u32 s26, $0x1;
	_ =	strace $0x80000046;
	[dreg:$0x1] =	wrdreg $0xFFFFFFFF  }
0xad: {  	s28 =	simm.s32 $_size_execute0_lowered;
	s3 =	sadd.s32 s3, s5;
	[dreg:$0x0] =	wrdreg $0x0  }
0xae: {  	s5 =	sshll.u32 s28, $0x1;
	[dreg:$0x2] =	wrdreg s3  }
0xaf: {  	[dreg:$0x3] =	wrdreg s5  }
0xb0: {  	[dreg:$0x4] =	wrdreg $0xC0  }
0xb1: {  	_ =	task [dreg:s7], $0x5FFFF  }
0xb2: {  	[dreg:$0x1] =	wrdreg $0xFFFFFFFF  }
0xb3: {  	[dreg:$0x0] =	wrdreg $0x60  }
0xb4: {  	[dreg:$0x2] =	wrdreg s24  }
0xb5: {  	[dreg:$0x3] =	wrdreg s16  }
0xb6: {  	[dreg:$0x4] =	wrdreg $0x9  }
0xb7: {  	_ =	task.clear_ibuf [dreg:s7], $0x5FFFF;
	_ =	strace $0x90000046  }
0xb8: {  	s29 =	simm.s32 $0x9;
	_ =	strace $0x80000048  }
0xb9: {  	_ =	swait.ge [sflag:s29], $0x1  }
0xba: {  	[sflag:s29] =	ssyncadd.s32 $0xFFFFFFFF  }
0xbb: {  	_ =	strace $0x90000048  }
0xbc: {  	_ =	sfence  }
0xbd: {  	s30 =	sld [smem:$0x0];
	_ =	sdelay $0x2  }
0xbe: {  	s31 =	sshll.u32 s1, $0xD;
	s1 =	sshrl.u32 s1, $0x2  }
0xbf: {  	s3 =	sand.u32 $0x4000, s31;
	s1 =	sadd.s32 s1, s30  }
0xc0: {  	s0 =	sor.u32 s3, s0;
	s1 =	sshll.u32 s1, $0x11  }
0xc1: {  	s0 =	sor.u32 s1, s0  }
0xc2: {  	s0 =	sadd.s32 $0x8F2B, s0  }
0xc3: {  	[sflag:s0] =	ssyncadd.remote.s32 $0x1  }
0xc4: {  	_ =	sfence.sel $0xFFFF  }
0xc5: {  	[dreg:$0x0] =	wrdreg $0xFFFFFFFF;
	(pc) =	sbr.abs _section_cstart, $3  }
0xc6: {  	[dreg:$0x1] =	wrdreg $0xFFFFFFFF  }
0xc7: {  	_ =	task.clear_ibuf [dreg:s7], $0x2FFFF;
	_ =	strace $0x9FFFFFFF  }
0xc8: {  	(tm) =	ssettm $0x7FFFFFFF  }
0xc9: {  	_ =	shalt  }
tec
execute0_lowered:
.L_overlay_start_1:
0x0: {  	(tag) =	ssettag $0x1  }
0x1: {  	s1 =	srdreg.scid;
	s0 =	stileid.u32  }
0x2: {  	s3 =	sand.u32 $0x1, s1;
	s30 =	sshll.u32 s0, $0x1  }
0x3: {  	s7 =	sor.u32 s3, s30  }
0x4: {  	s4 =	rddreg [dreg:$0x0];
	s5 =	smul.u32 $0x49800, s7  }
0x5: {  	s8 =	rddreg [dreg:$0x1]  }
0x6: {  	s2 =	simm.s32 $0x0;
	s1 =	rddreg [dreg:$0x2];
	s5 =	sshrl.u32 s5, $0x3  }
0x7: {  	s6 =	simm.s32 $0x1;
	[smem:$0x7FF] =	sst s2;
	s4 =	sadd.s32 s4, s5  }
0x8: {  	_ =	strace $0x80000047;
	s9 =	ssub.s32 $0x2, s3;
	s3 =	sadd.s32 $0x126000, s4  }
0x9: {  	[tilespmem:s2], [sflag:$0x1] =	stream.linear.gather [hbm4b:s3+s2], $0x9300, $0x38;
	[tilespmem:$0x12600] =	vst v63  }
0xa: {  	s10 =	sshrl.u32 s9, $0x1;
	s5 =	simm.s32 $0x9300;
	s4 =	sadd.s32 $0x127260, s4  }
0xb: {  	[tilespmem:s5], [sflag:$0x2] =	stream.linear.gather [hbm4b:s4+s2], $0x9300, $0x38;
	[tilespmem:$0x12600] =	vst v63  }
0xc: {  	s9 =	ssub.s32 s9, s10;
	_ =	swait.ge [sflag:s6], $0x9300  }
0xd: {  	s31 =	sshll.u32 s7, $0x1;
	s9 =	smax.u32 s9, $0x1;
	[sflag:s6] =	ssyncset.done $0x0  }
0xe: {  	s7 =	simm.s32 $0x2;
	s10 =	sadd.s32 $0xFFFFFFFF, s9;
	[sflag:s6] =	ssyncadd.s32 $0xFFFF6D00  }
0xf: {  	p0 =	sgt.u32 s0, $0x3;
	p1 =	sne.s32 s10, $0x0;
	_ =	swait.ge [sflag:s7], $0x9300  }
.Ltmp0:
0x10: {  	s11 =	simm.s32 @!p0 $0x0;
	[sflag:s7] =	ssyncset.done $0x0;
	(pc) =	sbr.rel @!p1 .LBB2_2-.Ltmp0, $4  }
0x11: {  	s8 =	sadd.s32 s8, s31;
	s9 =	simm.s32 @!p0 $0x3;
	[sflag:s7] =	ssyncadd.s32 $0xFFFF6D00  }
0x12: {  	[hbm4b:s8+s11] =	stream.linear.scatter @!p0 [tilespmem:s11], [sflag:$0x3], $0x10, $0x38;
	[tilespmem:$0x12600] =	vst v63  }
0x13: {  	_ =	swait.ge @!p0 [sflag:s9], $0x10  }
0x14: {  	[sflag:s9] =	ssyncset.done @!p0 $0x0  }
.LBB2_1:
0x15: {  	s10 =	sadd.s32 $0xFFFFFFFF, s10;
	[sflag:s9] =	ssyncadd.s32 @!p0 $0xFFFFFFF0  }
0x16: {  	[tilespmem:s2], [sflag:$0x1] =	stream.linear.gather [hbm4b:s3+s2], $0x9300, $0x38;
	[tilespmem:$0x12600] =	vst v63  }
0x17: {  	p1 =	sne.s32 s10, $0x0  }
0x18: {  	[tilespmem:s5], [sflag:$0x2] =	stream.linear.gather [hbm4b:s4+s2], $0x9300, $0x38;
	[tilespmem:$0x12600] =	vst v63  }
0x19: {  	_ =	swait.ge [sflag:s6], $0x9300  }
0x1a: {  	[sflag:s6] =	ssyncset.done $0x0  }
0x1b: {  	[sflag:s6] =	ssyncadd.s32 $0xFFFF6D00  }
0x1c: {  	_ =	swait.ge [sflag:s7], $0x9300  }
.Ltmp1:
0x1d: {  	[sflag:s7] =	ssyncset.done $0x0;
	(pc) =	sbr.rel @p1 .LBB2_1-.Ltmp1, $4  }
0x1e: {  	[sflag:s7] =	ssyncadd.s32 $0xFFFF6D00  }
0x1f: {  	[hbm4b:s8+s11] =	stream.linear.scatter @!p0 [tilespmem:s11], [sflag:$0x3], $0x10, $0x38;
	[tilespmem:$0x12600] =	vst v63  }
0x20: {  	_ =	swait.ge @!p0 [sflag:s9], $0x10  }
0x21: {  	[sflag:s9] =	ssyncset.done @!p0 $0x0  }
.LBB2_2:
0x22: {  	[sflag:s9] =	ssyncadd.s32 @!p0 $0xFFFFFFF0  }
0x23: {  	_ =	sfence.sel $0x180000  }
0x24: {  	[bflag:$0x0] =	sbarrier.arrive $0xFFFF  }
0x25: {  	p0 =	sne.s32 s0, $0x0;
	_ =	strace $0x90000047  }
0x26: {  	s0 =	sadd.s32 @!p0 $0x100000, s1;
	[bflag:$0x2] =	sbarrier.arrive $0xFFFF  }
0x27: {  	[sflag:s0] =	ssyncadd.tile.s32 @!p0 $0x1;
	_ =	shalt  }
.Lfunc_end2:
_tile_overlayer_lowered:
.L_overlay_start_2:
0x28: {  	(tag) =	ssettag $0x2  }
0x29: {  	s0 =	rddreg [dreg:$0x0];
	s2 =	stileid.u32  }
0x2a: {  	s1 =	rddreg [dreg:$0x1];
	p0 =	sne.s32 s2, $0x0  }
0x2b: {  	s3 =	rddreg [dreg:$0x2];
	[bflag:$0x3] =	sbarrier.arrive $0xFFFF;
	s2 =	simm.s32 @!p0 $0x1C03  }
0x2c: {  	[timem:s3], [sflag:s2] =	dma.local @!p0 [hbm:s0], s1  }
0x2d: {  	s0 =	simm.s32 @!p0 $0x3  }
0x2e: {  	_ =	swait.ge @!p0 [sflag:s0], s1  }
0x2f: {  	s1 =	ssub.s32 @!p0 $0x0, s1;
	[sflag:s0] =	ssyncset.done @!p0 $0x0  }
0x30: {  	[sflag:s0] =	ssyncadd.s32 @!p0 s1  }
0x31: {  	[bflag:$0x3] =	sbarrier.arrive $0xFFFF  }
0x32: {  	_ =	shalt  }

</sc_bundles>
